<compile_context>
chip_gen: v7x
topology: tpu7x:2x2x1
jax: 0.10.2.dev20260603
libtpu: 0.0.44.dev20260713+nightly
codegen_flags: <defaults>
</compile_context>

<pallas_src>
import functools

import jax
import jax.numpy as jnp
from jax import lax
from jax.experimental import pallas as pl
from jax.experimental.pallas import tpu as pltpu
from jax.experimental.pallas import tpu_sc as plsc

_NE = 1024
_D = 64
_R = 512
_N = 16 * 1024
_CCOST = 0.25

_NC = 2
_NS = 16
_NW = _NC * _NS
_BPW = _N // _NW
_GCH = 128
_NCH = _BPW // _GCH


def _vq_body(x_ref, w_ref, gidx_ref, idx_ref, md_ref, loss_ref, ppl_ref,
             w2_ref, usage_ref, acc_ref):
    i = pl.program_id(0)

    @pl.when(i == 0)
    def _init():
        w = w_ref[...]
        w2_ref[...] = jnp.sum(w * w, axis=1)[None, :]
        usage_ref[...] = jnp.zeros_like(usage_ref)
        acc_ref[0] = 0.0
        acc_ref[1] = 0.0

    x = x_ref[...]
    x2 = jnp.sum(x * x, axis=1, keepdims=True)
    dots = jax.lax.dot_general(-2.0 * x, w_ref[...], (((1,), (1,)), ((), ())),
                               preferred_element_type=jnp.float32)
    dist = dots + w2_ref[...]
    mind0 = jnp.min(dist, axis=1, keepdims=True)
    colsf = jax.lax.broadcasted_iota(jnp.int32, (1, _NE), 1).astype(jnp.float32)
    aminf = jnp.min(jnp.where(dist == mind0, colsf, float(_NE)), axis=1,
                    keepdims=True)
    mind = mind0 + x2
    validk = jnp.sqrt(x2) > 1e-6
    maskf = validk.astype(jnp.float32)
    aminf_g = jnp.where(validk, aminf, float(_NE))
    oh = (colsf == aminf_g).astype(jnp.float32)
    amin = aminf.astype(jnp.int32)
    gidx_ref[...] = aminf_g.astype(jnp.int32)[:, 0][None, None, :]
    idx_ref[...] = jnp.where(validk, amin, 0)[:, 0][None, None, :]
    mdm = jnp.where(validk, mind, 0.0)
    md_ref[...] = mdm[:, 0][None, None, :]
    usage_ref[...] += jnp.sum(oh.reshape(_R // 8, 8, _NE), axis=0)
    acc_ref[0] += jnp.sum(mdm)
    acc_ref[1] += jnp.sum(maskf)

    @pl.when(i == pl.num_programs(0) - 1)
    def _fini():
        nv = jnp.maximum(acc_ref[1], 1.0)
        loss_ref[...] = jnp.full((1, 1), _CCOST / _D) * (acc_ref[0] / nv)
        avg = jnp.sum(usage_ref[...], axis=0)[None, :] / nv
        ent = -jnp.sum(avg * jnp.log(avg + 1e-10))
        ppl_ref[...] = jnp.exp(jnp.full((1, 1), 1.0) * ent)


_GRID = _N // _R

_vq_call = pl.pallas_call(
    _vq_body,
    grid=(_GRID,),
    in_specs=[pl.BlockSpec((_R, _D), lambda i: (i, 0)),
              pl.BlockSpec((_NE, _D), lambda i: (0, 0))],
    out_specs=[pl.BlockSpec((1, 1, _R), lambda i: (i, 0, 0)),
               pl.BlockSpec((1, 1, _R), lambda i: (i, 0, 0)),
               pl.BlockSpec((1, 1, _R), lambda i: (i, 0, 0)),
               pl.BlockSpec((1, 1), lambda i: (0, 0)),
               pl.BlockSpec((1, 1), lambda i: (0, 0))],
    out_shape=[
        jax.ShapeDtypeStruct((_GRID, 1, _R), jnp.int32),
        jax.ShapeDtypeStruct((_GRID, 1, _R), jnp.int32),
        jax.ShapeDtypeStruct((_GRID, 1, _R), jnp.float32),
        jax.ShapeDtypeStruct((1, 1), jnp.float32),
        jax.ShapeDtypeStruct((1, 1), jnp.float32),
    ],
    scratch_shapes=[pltpu.VMEM((1, _NE), jnp.float32),
                    pltpu.VMEM((8, _NE), jnp.float32),
                    pltpu.SMEM((2,), jnp.float32)],
)


def _make_gather():
    @functools.partial(
        pl.kernel,
        mesh=plsc.VectorSubcoreMesh(core_axis_name="c", subcore_axis_name="s"),
        out_type=jax.ShapeDtypeStruct((_N, _D), jnp.float32),
        scratch_types=[pltpu.VMEM((_NCH, _GCH), jnp.int32),
                       pltpu.VMEM((_BPW, _D), jnp.float32),
                       pltpu.SemaphoreType.DMA],
        compiler_params=pltpu.CompilerParams(use_tc_tiling_on_sc=False),
    )
    def _gather_body(table_hbm, idx_hbm, out_hbm, idx_v, rows_v, sem):
        wid = lax.axis_index("s") * _NC + lax.axis_index("c")
        pltpu.sync_copy(idx_hbm.at[pl.ds(wid * _NCH, _NCH)], idx_v)
        for j in range(_NCH):
            pltpu.async_copy(table_hbm.at[idx_v.at[j]],
                             rows_v.at[pl.ds(j * _GCH, _GCH)], sem).wait()
        pltpu.sync_copy(rows_v, out_hbm.at[pl.ds(wid * _BPW, _BPW)])

    return _gather_body


def kernel(inputs, W):
    shape = inputs.shape
    flat = inputs.reshape(-1, _D)
    gidx, idx, md, loss, ppl = _vq_call(flat, W)
    table = jnp.concatenate([W, jnp.zeros((8, _D), jnp.float32)], axis=0)
    q = _make_gather()(table, gidx.reshape(_NW * _NCH, _GCH))
    quantized = q.reshape(shape)
    indices = idx.reshape(shape[:-1])
    min_distances = md.reshape(shape[:-1])
    return (quantized, loss[0, 0], ppl[0, 0], indices, min_distances)

# --- scband reference (transcript-rebuilt; emitter-appended) ---
"""Pipeline reference for scband-vector-quantizer-ema-49675591746040 (READ-ONLY COPY).

The authoritative reference and input builder live on the scoring server;
editing this copy changes nothing except your own understanding.
"""

import jax, jax.numpy as jnp
import numpy as np

NUM_EMBEDDINGS = 1024
EMBEDDING_DIM = 64
COMMITMENT_COST = 0.25

def setup_inputs(seed: int = 0) -> dict:
    key = jax.random.key(seed)
    k1, k2 = jax.random.split(key)
    inputs = jax.random.normal(k1, (16, 1024, 64), dtype=jnp.float32)
    W = jax.random.normal(k2, (NUM_EMBEDDINGS, EMBEDDING_DIM), dtype=jnp.float32)
    return {"inputs": inputs, "W": W}

def reference(inputs, W):
    # Eval-mode forward of VectorQuantizerEMA (no EMA buffer updates, no sampling).
    input_shape = inputs.shape
    flat_input = inputs.reshape(-1, EMBEDDING_DIM)
    valid_mask = jnp.linalg.norm(flat_input, axis=1) > 1e-06
    mask_f = valid_mask[:, None].astype(flat_input.dtype)
    # squared-L2 distances to every codebook vector
    distances = (jnp.sum(flat_input ** 2, axis=1, keepdims=True)
                 + jnp.sum(W ** 2, axis=1)
                 - 2.0 * jnp.matmul(flat_input, W.T))
    min_distances_all = jnp.min(distances, axis=1)
    encoding_indices = jnp.argmin(distances, axis=1)
    quantized_all = jnp.take(W, encoding_indices, axis=0)
    # zero out rows that were invalid (padding)
    quantized_flat = quantized_all * mask_f
    indices_flat = jnp.where(valid_mask, encoding_indices, 0)
    min_distances_flat = jnp.where(valid_mask, min_distances_all, 0.0)
    quantized = quantized_flat.reshape(input_shape)
    indices = indices_flat.reshape(input_shape[:-1])
    min_distances = min_distances_flat.reshape(input_shape[:-1])
    n_valid = jnp.maximum(jnp.sum(mask_f), 1.0)
    # commitment loss: mse over valid rows only
    loss_commit = jnp.sum(((flat_input - jax.lax.stop_gradient(quantized_all)) ** 2) * mask_f) / (n_valid * EMBEDDING_DIM)
    loss = COMMITMENT_COST * loss_commit
    # straight-through estimator
    quantized_st = inputs + jax.lax.stop_gradient(quantized - inputs)
    # perplexity from average code usage (bincount == column-sum of one-hot encodings)
    usage = jnp.bincount(indices_flat, weights=mask_f[:, 0], length=NUM_EMBEDDINGS)
    avg_probs = usage / n_valid
    perplexity = jnp.exp(-jnp.sum(avg_probs * jnp.log(avg_probs + 1e-10)))
    return (quantized_st, loss, perplexity, indices, min_distances)

if __name__ == "__main__":
    import jax
    _d = setup_inputs()
    print(jax.jit(kernel)(*tuple(_d.values())))

</pallas_src>

<mosaic_0001>
#map = affine_map<(d0, d1) -> (0, 0)>
module attributes {stable_mosaic.version = 14 : i64} {
  func.func @_gather_body(%arg0: i32, %arg1: i32, %arg2: memref<1032x64xf32, #tpu.memory_space<hbm>>, %arg3: memref<128x128xi32, #tpu.memory_space<hbm>>, %arg4: memref<16384x64xf32, #tpu.memory_space<hbm>>, %arg5: memref<4x128xi32, #tpu.memory_space<vmem>>, %arg6: memref<512x64xf32, #tpu.memory_space<vmem>>, %arg7: memref<!tpu.dma_semaphore, #tpu.memory_space<semaphore_mem>>) attributes {dimension_semantics = [#tpu.dimension_semantics<core_parallel>, #tpu.dimension_semantics<subcore_parallel>], iteration_bounds = array<i64: 2, 16>, scalar_prefetch = 0 : i64, scratch_operands = 3 : i64, tpu.core_type = #tpu.core_type<sc_vector_subcore>, window_params = [{transform_indices = #map}, {transform_indices = #map}, {transform_indices = #map}]} {
    %mul3A = arith.constant 2 : i32
    %mul3A_0 = arith.muli %arg1, %mul3A : i32
    %add3A = arith.addi %mul3A_0, %arg0 : i32
    %mul3A_1 = arith.constant 4 : i32
    %mul3A_2 = arith.muli %add3A, %mul3A_1 : i32
    "tpu.region"() ({
      %run_scoped3A = tpu.sem_alloc : memref<!tpu.dma_semaphore, #tpu.memory_space<semaphore_mem>>
      %dma_start3A_83 = arith.constant 0 : i32
      %dma_start3A_84 = tpu.memref_slice %arg3[%mul3A_2, %dma_start3A_83] : memref<128x128xi32, #tpu.memory_space<hbm>> -> memref<4x128xi32, #tpu.memory_space<hbm>>
      %dma_start3A_85 = arith.constant 0 : i32
      %dma_start3A_86 = tpu.memref_slice %arg3[%mul3A_2, %dma_start3A_85] : memref<128x128xi32, #tpu.memory_space<hbm>> -> memref<4x128xi32, #tpu.memory_space<hbm>>
      tpu.enqueue_dma source(%dma_start3A_86 : memref<4x128xi32, #tpu.memory_space<hbm>>) target(%arg5 : memref<4x128xi32, #tpu.memory_space<vmem>>) target_semaphore(%run_scoped3A : memref<!tpu.dma_semaphore, #tpu.memory_space<semaphore_mem>>)
      %dma_wait3A_87 = arith.constant 0 : i32
      %dma_wait3A_88 = tpu.memref_slice %arg3[%mul3A_2, %dma_wait3A_87] : memref<128x128xi32, #tpu.memory_space<hbm>> -> memref<4x128xi32, #tpu.memory_space<hbm>>
      %dma_wait3A_89 = arith.constant 0 : i32
      %dma_wait3A_90 = tpu.memref_slice %arg3[%mul3A_2, %dma_wait3A_89] : memref<128x128xi32, #tpu.memory_space<hbm>> -> memref<4x128xi32, #tpu.memory_space<hbm>>
      tpu.wait_dma2 semaphore(%run_scoped3A : memref<!tpu.dma_semaphore, #tpu.memory_space<semaphore_mem>>) src(%dma_wait3A_90 : memref<4x128xi32, #tpu.memory_space<hbm>>) dst(%arg5 : memref<4x128xi32, #tpu.memory_space<vmem>>)
      tpu.yield
    }) : () -> ()
    %dma_start3A = arith.constant 0 : i32
    %dma_start3A_3 = arith.constant 0 : i32
    %dma_start3A_4 = arith.constant 0 : i32
    %dma_start3A_5 = tpu.memref_slice %arg6[%dma_start3A_3, %dma_start3A_4] : memref<512x64xf32, #tpu.memory_space<vmem>> -> memref<128x64xf32, #tpu.memory_space<vmem>>
    %dma_start3A_6 = arith.constant 0 : i32
    %dma_start3A_7 = tpu.memref_slice %arg5[%dma_start3A, %dma_start3A_6] : memref<4x128xi32, #tpu.memory_space<vmem>> -> memref<1x128xi32, #tpu.memory_space<vmem>>
    %dma_start3A_8 = tpu.memref_squeeze %dma_start3A_7 : memref<1x128xi32, #tpu.memory_space<vmem>> -> memref<128xi32, #tpu.memory_space<vmem>>
    %dma_start3A_9 = arith.constant 0 : i32
    %dma_start3A_10 = arith.constant 0 : i32
    %dma_start3A_11 = tpu.memref_slice %arg2[%dma_start3A_9, %dma_start3A_10] : memref<1032x64xf32, #tpu.memory_space<hbm>> -> memref<1032x64xf32, #tpu.memory_space<hbm>>
    tpu.enqueue_indirect_dma source(%dma_start3A_11 : memref<1032x64xf32, #tpu.memory_space<hbm>>) target(%dma_start3A_5 : memref<128x64xf32, #tpu.memory_space<vmem>>) offsets(%dma_start3A_8 : memref<128xi32, #tpu.memory_space<vmem>>) semaphore(%arg7 : memref<!tpu.dma_semaphore, #tpu.memory_space<semaphore_mem>>)
    %dma_wait3A = arith.constant 0 : i32
    %dma_wait3A_12 = arith.constant 0 : i32
    %dma_wait3A_13 = arith.constant 0 : i32
    %dma_wait3A_14 = tpu.memref_slice %arg6[%dma_wait3A_12, %dma_wait3A_13] : memref<512x64xf32, #tpu.memory_space<vmem>> -> memref<128x64xf32, #tpu.memory_space<vmem>>
    %dma_wait3A_15 = arith.constant 0 : i32
    %dma_wait3A_16 = tpu.memref_slice %arg5[%dma_wait3A, %dma_wait3A_15] : memref<4x128xi32, #tpu.memory_space<vmem>> -> memref<1x128xi32, #tpu.memory_space<vmem>>
    %dma_wait3A_17 = tpu.memref_squeeze %dma_wait3A_16 : memref<1x128xi32, #tpu.memory_space<vmem>> -> memref<128xi32, #tpu.memory_space<vmem>>
    %dma_wait3A_18 = arith.constant 0 : i32
    %dma_wait3A_19 = arith.constant 0 : i32
    %dma_wait3A_20 = tpu.memref_slice %arg2[%dma_wait3A_18, %dma_wait3A_19] : memref<1032x64xf32, #tpu.memory_space<hbm>> -> memref<1032x64xf32, #tpu.memory_space<hbm>>
    tpu.wait_indirect_dma semaphore(%arg7 : memref<!tpu.dma_semaphore, #tpu.memory_space<semaphore_mem>>) src(%dma_wait3A_20 : memref<1032x64xf32, #tpu.memory_space<hbm>>) dst(%dma_wait3A_14 : memref<128x64xf32, #tpu.memory_space<vmem>>)
    %dma_start3A_21 = arith.constant 1 : i32
    %dma_start3A_22 = arith.constant 128 : i32
    %dma_start3A_23 = arith.constant 0 : i32
    %dma_start3A_24 = tpu.memref_slice %arg6[%dma_start3A_22, %dma_start3A_23] : memref<512x64xf32, #tpu.memory_space<vmem>> -> memref<128x64xf32, #tpu.memory_space<vmem>>
    %dma_start3A_25 = arith.constant 0 : i32
    %dma_start3A_26 = tpu.memref_slice %arg5[%dma_start3A_21, %dma_start3A_25] : memref<4x128xi32, #tpu.memory_space<vmem>> -> memref<1x128xi32, #tpu.memory_space<vmem>>
    %dma_start3A_27 = tpu.memref_squeeze %dma_start3A_26 : memref<1x128xi32, #tpu.memory_space<vmem>> -> memref<128xi32, #tpu.memory_space<vmem>>
    %dma_start3A_28 = arith.constant 0 : i32
    %dma_start3A_29 = arith.constant 0 : i32
    %dma_start3A_30 = tpu.memref_slice %arg2[%dma_start3A_28, %dma_start3A_29] : memref<1032x64xf32, #tpu.memory_space<hbm>> -> memref<1032x64xf32, #tpu.memory_space<hbm>>
    tpu.enqueue_indirect_dma source(%dma_start3A_30 : memref<1032x64xf32, #tpu.memory_space<hbm>>) target(%dma_start3A_24 : memref<128x64xf32, #tpu.memory_space<vmem>>) offsets(%dma_start3A_27 : memref<128xi32, #tpu.memory_space<vmem>>) semaphore(%arg7 : memref<!tpu.dma_semaphore, #tpu.memory_space<semaphore_mem>>)
    %dma_wait3A_31 = arith.constant 1 : i32
    %dma_wait3A_32 = arith.constant 128 : i32
    %dma_wait3A_33 = arith.constant 0 : i32
    %dma_wait3A_34 = tpu.memref_slice %arg6[%dma_wait3A_32, %dma_wait3A_33] : memref<512x64xf32, #tpu.memory_space<vmem>> -> memref<128x64xf32, #tpu.memory_space<vmem>>
    %dma_wait3A_35 = arith.constant 0 : i32
    %dma_wait3A_36 = tpu.memref_slice %arg5[%dma_wait3A_31, %dma_wait3A_35] : memref<4x128xi32, #tpu.memory_space<vmem>> -> memref<1x128xi32, #tpu.memory_space<vmem>>
    %dma_wait3A_37 = tpu.memref_squeeze %dma_wait3A_36 : memref<1x128xi32, #tpu.memory_space<vmem>> -> memref<128xi32, #tpu.memory_space<vmem>>
    %dma_wait3A_38 = arith.constant 0 : i32
    %dma_wait3A_39 = arith.constant 0 : i32
    %dma_wait3A_40 = tpu.memref_slice %arg2[%dma_wait3A_38, %dma_wait3A_39] : memref<1032x64xf32, #tpu.memory_space<hbm>> -> memref<1032x64xf32, #tpu.memory_space<hbm>>
    tpu.wait_indirect_dma semaphore(%arg7 : memref<!tpu.dma_semaphore, #tpu.memory_space<semaphore_mem>>) src(%dma_wait3A_40 : memref<1032x64xf32, #tpu.memory_space<hbm>>) dst(%dma_wait3A_34 : memref<128x64xf32, #tpu.memory_space<vmem>>)
    %dma_start3A_41 = arith.constant 2 : i32
    %dma_start3A_42 = arith.constant 256 : i32
    %dma_start3A_43 = arith.constant 0 : i32
    %dma_start3A_44 = tpu.memref_slice %arg6[%dma_start3A_42, %dma_start3A_43] : memref<512x64xf32, #tpu.memory_space<vmem>> -> memref<128x64xf32, #tpu.memory_space<vmem>>
    %dma_start3A_45 = arith.constant 0 : i32
    %dma_start3A_46 = tpu.memref_slice %arg5[%dma_start3A_41, %dma_start3A_45] : memref<4x128xi32, #tpu.memory_space<vmem>> -> memref<1x128xi32, #tpu.memory_space<vmem>>
    %dma_start3A_47 = tpu.memref_squeeze %dma_start3A_46 : memref<1x128xi32, #tpu.memory_space<vmem>> -> memref<128xi32, #tpu.memory_space<vmem>>
    %dma_start3A_48 = arith.constant 0 : i32
    %dma_start3A_49 = arith.constant 0 : i32
    %dma_start3A_50 = tpu.memref_slice %arg2[%dma_start3A_48, %dma_start3A_49] : memref<1032x64xf32, #tpu.memory_space<hbm>> -> memref<1032x64xf32, #tpu.memory_space<hbm>>
    tpu.enqueue_indirect_dma source(%dma_start3A_50 : memref<1032x64xf32, #tpu.memory_space<hbm>>) target(%dma_start3A_44 : memref<128x64xf32, #tpu.memory_space<vmem>>) offsets(%dma_start3A_47 : memref<128xi32, #tpu.memory_space<vmem>>) semaphore(%arg7 : memref<!tpu.dma_semaphore, #tpu.memory_space<semaphore_mem>>)
    %dma_wait3A_51 = arith.constant 2 : i32
    %dma_wait3A_52 = arith.constant 256 : i32
    %dma_wait3A_53 = arith.constant 0 : i32
    %dma_wait3A_54 = tpu.memref_slice %arg6[%dma_wait3A_52, %dma_wait3A_53] : memref<512x64xf32, #tpu.memory_space<vmem>> -> memref<128x64xf32, #tpu.memory_space<vmem>>
    %dma_wait3A_55 = arith.constant 0 : i32
    %dma_wait3A_56 = tpu.memref_slice %arg5[%dma_wait3A_51, %dma_wait3A_55] : memref<4x128xi32, #tpu.memory_space<vmem>> -> memref<1x128xi32, #tpu.memory_space<vmem>>
    %dma_wait3A_57 = tpu.memref_squeeze %dma_wait3A_56 : memref<1x128xi32, #tpu.memory_space<vmem>> -> memref<128xi32, #tpu.memory_space<vmem>>
    %dma_wait3A_58 = arith.constant 0 : i32
    %dma_wait3A_59 = arith.constant 0 : i32
    %dma_wait3A_60 = tpu.memref_slice %arg2[%dma_wait3A_58, %dma_wait3A_59] : memref<1032x64xf32, #tpu.memory_space<hbm>> -> memref<1032x64xf32, #tpu.memory_space<hbm>>
    tpu.wait_indirect_dma semaphore(%arg7 : memref<!tpu.dma_semaphore, #tpu.memory_space<semaphore_mem>>) src(%dma_wait3A_60 : memref<1032x64xf32, #tpu.memory_space<hbm>>) dst(%dma_wait3A_54 : memref<128x64xf32, #tpu.memory_space<vmem>>)
    %dma_start3A_61 = arith.constant 3 : i32
    %dma_start3A_62 = arith.constant 384 : i32
    %dma_start3A_63 = arith.constant 0 : i32
    %dma_start3A_64 = tpu.memref_slice %arg6[%dma_start3A_62, %dma_start3A_63] : memref<512x64xf32, #tpu.memory_space<vmem>> -> memref<128x64xf32, #tpu.memory_space<vmem>>
    %dma_start3A_65 = arith.constant 0 : i32
    %dma_start3A_66 = tpu.memref_slice %arg5[%dma_start3A_61, %dma_start3A_65] : memref<4x128xi32, #tpu.memory_space<vmem>> -> memref<1x128xi32, #tpu.memory_space<vmem>>
    %dma_start3A_67 = tpu.memref_squeeze %dma_start3A_66 : memref<1x128xi32, #tpu.memory_space<vmem>> -> memref<128xi32, #tpu.memory_space<vmem>>
    %dma_start3A_68 = arith.constant 0 : i32
    %dma_start3A_69 = arith.constant 0 : i32
    %dma_start3A_70 = tpu.memref_slice %arg2[%dma_start3A_68, %dma_start3A_69] : memref<1032x64xf32, #tpu.memory_space<hbm>> -> memref<1032x64xf32, #tpu.memory_space<hbm>>
    tpu.enqueue_indirect_dma source(%dma_start3A_70 : memref<1032x64xf32, #tpu.memory_space<hbm>>) target(%dma_start3A_64 : memref<128x64xf32, #tpu.memory_space<vmem>>) offsets(%dma_start3A_67 : memref<128xi32, #tpu.memory_space<vmem>>) semaphore(%arg7 : memref<!tpu.dma_semaphore, #tpu.memory_space<semaphore_mem>>)
    %dma_wait3A_71 = arith.constant 3 : i32
    %dma_wait3A_72 = arith.constant 384 : i32
    %dma_wait3A_73 = arith.constant 0 : i32
    %dma_wait3A_74 = tpu.memref_slice %arg6[%dma_wait3A_72, %dma_wait3A_73] : memref<512x64xf32, #tpu.memory_space<vmem>> -> memref<128x64xf32, #tpu.memory_space<vmem>>
    %dma_wait3A_75 = arith.constant 0 : i32
    %dma_wait3A_76 = tpu.memref_slice %arg5[%dma_wait3A_71, %dma_wait3A_75] : memref<4x128xi32, #tpu.memory_space<vmem>> -> memref<1x128xi32, #tpu.memory_space<vmem>>
    %dma_wait3A_77 = tpu.memref_squeeze %dma_wait3A_76 : memref<1x128xi32, #tpu.memory_space<vmem>> -> memref<128xi32, #tpu.memory_space<vmem>>
    %dma_wait3A_78 = arith.constant 0 : i32
    %dma_wait3A_79 = arith.constant 0 : i32
    %dma_wait3A_80 = tpu.memref_slice %arg2[%dma_wait3A_78, %dma_wait3A_79] : memref<1032x64xf32, #tpu.memory_space<hbm>> -> memref<1032x64xf32, #tpu.memory_space<hbm>>
    tpu.wait_indirect_dma semaphore(%arg7 : memref<!tpu.dma_semaphore, #tpu.memory_space<semaphore_mem>>) src(%dma_wait3A_80 : memref<1032x64xf32, #tpu.memory_space<hbm>>) dst(%dma_wait3A_74 : memref<128x64xf32, #tpu.memory_space<vmem>>)
    %mul3A_81 = arith.constant 512 : i32
    %mul3A_82 = arith.muli %add3A, %mul3A_81 : i32
    "tpu.region"() ({
      %run_scoped3A = tpu.sem_alloc : memref<!tpu.dma_semaphore, #tpu.memory_space<semaphore_mem>>
      %dma_start3A_83 = arith.constant 0 : i32
      %dma_start3A_84 = tpu.memref_slice %arg4[%mul3A_82, %dma_start3A_83] : memref<16384x64xf32, #tpu.memory_space<hbm>> -> memref<512x64xf32, #tpu.memory_space<hbm>>
      %dma_start3A_85 = arith.constant 0 : i32
      %dma_start3A_86 = tpu.memref_slice %arg4[%mul3A_82, %dma_start3A_85] : memref<16384x64xf32, #tpu.memory_space<hbm>> -> memref<512x64xf32, #tpu.memory_space<hbm>>
      tpu.enqueue_dma source(%arg6 : memref<512x64xf32, #tpu.memory_space<vmem>>) target(%dma_start3A_86 : memref<512x64xf32, #tpu.memory_space<hbm>>) target_semaphore(%run_scoped3A : memref<!tpu.dma_semaphore, #tpu.memory_space<semaphore_mem>>)
      %dma_wait3A_87 = arith.constant 0 : i32
      %dma_wait3A_88 = tpu.memref_slice %arg4[%mul3A_82, %dma_wait3A_87] : memref<16384x64xf32, #tpu.memory_space<hbm>> -> memref<512x64xf32, #tpu.memory_space<hbm>>
      %dma_wait3A_89 = arith.constant 0 : i32
      %dma_wait3A_90 = tpu.memref_slice %arg4[%mul3A_82, %dma_wait3A_89] : memref<16384x64xf32, #tpu.memory_space<hbm>> -> memref<512x64xf32, #tpu.memory_space<hbm>>
      tpu.wait_dma2 semaphore(%run_scoped3A : memref<!tpu.dma_semaphore, #tpu.memory_space<semaphore_mem>>) src(%arg6 : memref<512x64xf32, #tpu.memory_space<vmem>>) dst(%dma_wait3A_90 : memref<512x64xf32, #tpu.memory_space<hbm>>)
      tpu.yield
    }) : () -> ()
    return
  }
}

module attributes {stable_mosaic.version = 14 : i64} {
  func.func @_vq_body(%arg0: i32, %arg1: memref<512x64xf32, #tpu.memory_space<vmem>>, %arg2: memref<1024x64xf32, #tpu.memory_space<vmem>>, %arg3: memref<1x1x512xi32, #tpu.memory_space<vmem>>, %arg4: memref<1x1x512xi32, #tpu.memory_space<vmem>>, %arg5: memref<1x1x512xf32, #tpu.memory_space<vmem>>, %arg6: memref<1x1xf32, #tpu.memory_space<vmem>>, %arg7: memref<1x1xf32, #tpu.memory_space<vmem>>, %arg8: memref<1x1024xf32, #tpu.memory_space<vmem>>, %arg9: memref<8x1024xf32, #tpu.memory_space<vmem>>, %arg10: memref<2xf32, #tpu.memory_space<smem>>) attributes {dimension_semantics = [#tpu.dimension_semantics<arbitrary>], iteration_bounds = array<i64: 32>, scalar_prefetch = 0 : i64, scratch_operands = 3 : i64, tpu.core_type = #tpu.core_type<tc>, window_params = [{transform_indices = @transform_0, window_bounds = array<i64: 512, 64>}, {pipeline_mode = #tpu.pipeline_mode<synchronous>, transform_indices = @transform_1, window_bounds = array<i64: 1024, 64>}, {transform_indices = @transform_2, window_bounds = array<i64: 1, 1, 512>}, {transform_indices = @transform_3, window_bounds = array<i64: 1, 1, 512>}, {transform_indices = @transform_4, window_bounds = array<i64: 1, 1, 512>}, {pipeline_mode = #tpu.pipeline_mode<synchronous>, transform_indices = @transform_5, window_bounds = array<i64: 1, 1>}, {pipeline_mode = #tpu.pipeline_mode<synchronous>, transform_indices = @transform_6, window_bounds = array<i64: 1, 1>}]} {
    %eq3A = arith.constant 0 : i32
    %eq3A_0 = arith.cmpi eq, %arg0, %eq3A : i32
    %convert_element_type3A = arith.extui %eq3A_0 : i1 to i32
    %cond3A = arith.constant 0 : i32
    %cond3A_1 = arith.cmpi ne, %convert_element_type3A, %cond3A : i32
    scf.if %cond3A_1 {
      %get3A_98 = arith.constant 0 : index
      %get3A_99 = arith.constant 0 : index
      %get3A_100 = vector.load %arg2[%get3A_98, %get3A_99] : memref<1024x64xf32, #tpu.memory_space<vmem>>, vector<1024x64xf32>
      %mul3A_101 = arith.mulf %get3A_100, %get3A_100 : vector<1024x64xf32>
      %reduce_sum3A_102 = arith.constant dense<0.000000e+00> : vector<1024xf32>
      %reduce_sum3A_103 = vector.multi_reduction <add>, %mul3A_101, %reduce_sum3A_102 [1] : vector<1024x64xf32> to vector<1024xf32>
      %broadcast_in_dim3A_104 = vector.shape_cast %reduce_sum3A_103 : vector<1024xf32> to vector<1x1024xf32>
      %swap3A_105 = arith.constant 0 : index
      %swap3A_106 = arith.constant 0 : index
      %swap3A_107 = vector.load %arg8[%swap3A_105, %swap3A_106] : memref<1x1024xf32, #tpu.memory_space<vmem>>, vector<1x1024xf32>
      tpu.vector_store %arg8[%swap3A_105, %swap3A_106], %broadcast_in_dim3A_104 {strides = array<i32>} : memref<1x1024xf32, #tpu.memory_space<vmem>>, vector<1x1024xf32>,
      %broadcast_in_dim3A_108 = arith.constant 0.000000e+00 : f32
      %broadcast_in_dim3A_109 = vector.broadcast %broadcast_in_dim3A_108 : f32 to vector<8x1024xf32>
      %swap3A_110 = arith.constant 0 : index
      %swap3A_111 = arith.constant 0 : index
      %swap3A_112 = vector.load %arg9[%swap3A_110, %swap3A_111] : memref<8x1024xf32, #tpu.memory_space<vmem>>, vector<8x1024xf32>
      tpu.vector_store %arg9[%swap3A_110, %swap3A_111], %broadcast_in_dim3A_109 {strides = array<i32>} : memref<8x1024xf32, #tpu.memory_space<vmem>>, vector<8x1024xf32>,
      %swap3A_113 = arith.constant 0.000000e+00 : f32
      %swap3A_114 = arith.constant 0 : index
      %swap3A_115 = memref.load %arg10[%swap3A_114] : memref<2xf32, #tpu.memory_space<smem>>
      memref.store %swap3A_113, %arg10[%swap3A_114] : memref<2xf32, #tpu.memory_space<smem>>
      %swap3A_116 = arith.constant 0.000000e+00 : f32
      %swap3A_117 = arith.constant 1 : index
      %swap3A_118 = memref.load %arg10[%swap3A_117] : memref<2xf32, #tpu.memory_space<smem>>
      memref.store %swap3A_116, %arg10[%swap3A_117] : memref<2xf32, #tpu.memory_space<smem>>
    } else {
    }
    %get3A = arith.constant 0 : index
    %get3A_2 = arith.constant 0 : index
    %get3A_3 = vector.load %arg1[%get3A, %get3A_2] : memref<512x64xf32, #tpu.memory_space<vmem>>, vector<512x64xf32>
    %mul3A = arith.mulf %get3A_3, %get3A_3 : vector<512x64xf32>
    %reduce_sum3A = arith.constant dense<0.000000e+00> : vector<512xf32>
    %reduce_sum3A_4 = vector.multi_reduction <add>, %mul3A, %reduce_sum3A [1] : vector<512x64xf32> to vector<512xf32>
    %broadcast_in_dim3A = vector.shape_cast %reduce_sum3A_4 : vector<512xf32> to vector<512x1xf32>
    %mul3A_5 = arith.constant -2.000000e+00 : f32
    %mul3A_6 = vector.broadcast %mul3A_5 : f32 to vector<512x64xf32>
    %mul3A_7 = arith.mulf %mul3A_6, %get3A_3 : vector<512x64xf32>
    %get3A_8 = arith.constant 0 : index
    %get3A_9 = arith.constant 0 : index
    %get3A_10 = vector.load %arg2[%get3A_8, %get3A_9] : memref<1024x64xf32, #tpu.memory_space<vmem>>, vector<1024x64xf32>
    %dot_general3A = arith.constant dense<0.000000e+00> : vector<512x1024xf32>
    %dot_general3A_11 = tpu.matmul %mul3A_7, %get3A_10, %dot_general3A {dimension_numbers = #tpu.dot_dimension_numbers<[1], [1], [0], [0], [0, 0, 1, 0], [], []>, transpose_lhs_hint = false} : vector<512x64xf32>, vector<1024x64xf32>, vector<512x1024xf32> -> vector<512x1024xf32>
    %get3A_12 = arith.constant 0 : index
    %get3A_13 = arith.constant 0 : index
    %get3A_14 = vector.load %arg8[%get3A_12, %get3A_13] : memref<1x1024xf32, #tpu.memory_space<vmem>>, vector<1x1024xf32>
    %add3A = vector.broadcast %get3A_14 : vector<1x1024xf32> to vector<512x1024xf32>
    %add3A_15 = arith.addf %dot_general3A_11, %add3A : vector<512x1024xf32>
    %reduce_min3A = arith.constant dense<0x7F800000> : vector<512xf32>
    %reduce_min3A_16 = vector.multi_reduction <minimumf>, %add3A_15, %reduce_min3A [1] : vector<512x1024xf32> to vector<512xf32>
    %broadcast_in_dim3A_17 = vector.shape_cast %reduce_min3A_16 : vector<512xf32> to vector<512x1xf32>
    %iota3A = tpu.iota {dimensions = array<i32: 1>} : vector<1x1024xi32>
    %convert_element_type3A_18 = arith.sitofp %iota3A : vector<1x1024xi32> to vector<1x1024xf32>
    %eq3A_19 = vector.broadcast %broadcast_in_dim3A_17 : vector<512x1xf32> to vector<512x1024xf32>
    %eq3A_20 = arith.cmpf oeq, %add3A_15, %eq3A_19 : vector<512x1024xf32>
    %jit3A = arith.constant 1.024000e+03 : f32
    %broadcast_in_dim3A_21 = vector.shape_cast %convert_element_type3A_18 : vector<1x1024xf32> to vector<1x1024xf32>
    %broadcast_in_dim3A_22 = vector.broadcast %broadcast_in_dim3A_21 : vector<1x1024xf32> to vector<512x1024xf32>
    %broadcast_in_dim3A_23 = vector.broadcast %jit3A : f32 to vector<512x1024xf32>
    %select_n3A = arith.select %eq3A_20, %broadcast_in_dim3A_22, %broadcast_in_dim3A_23 : vector<512x1024xi1>, vector<512x1024xf32>
    %reduce_min3A_24 = arith.constant dense<0x7F800000> : vector<512xf32>
    %reduce_min3A_25 = vector.multi_reduction <minimumf>, %select_n3A, %reduce_min3A_24 [1] : vector<512x1024xf32> to vector<512xf32>
    %broadcast_in_dim3A_26 = vector.shape_cast %reduce_min3A_25 : vector<512xf32> to vector<512x1xf32>
    %add3A_27 = arith.addf %broadcast_in_dim3A_17, %broadcast_in_dim3A : vector<512x1xf32>
    %sqrt3A = math.sqrt %broadcast_in_dim3A : vector<512x1xf32>
    %gt3A = arith.constant 9.99999997E-7 : f32
    %gt3A_28 = vector.broadcast %gt3A : f32 to vector<512x1xf32>
    %gt3A_29 = arith.cmpf ogt, %sqrt3A, %gt3A_28 : vector<512x1xf32>
    %convert_element_type3A_30 = arith.extui %gt3A_29 : vector<512x1xi1> to vector<512x1xi32>
    %convert_element_type3A_31 = arith.sitofp %convert_element_type3A_30 : vector<512x1xi32> to vector<512x1xf32>
    %jit3A_32 = arith.constant 1.024000e+03 : f32
    %broadcast_in_dim3A_33 = vector.broadcast %jit3A_32 : f32 to vector<512x1xf32>
    %select_n3A_34 = arith.select %gt3A_29, %broadcast_in_dim3A_26, %broadcast_in_dim3A_33 : vector<512x1xi1>, vector<512x1xf32>
    %eq3A_35 = vector.broadcast %convert_element_type3A_18 : vector<1x1024xf32> to vector<512x1024xf32>
    %eq3A_36 = vector.broadcast %select_n3A_34 : vector<512x1xf32> to vector<512x1024xf32>
    %eq3A_37 = arith.cmpf oeq, %eq3A_35, %eq3A_36 : vector<512x1024xf32>
    %convert_element_type3A_38 = arith.extui %eq3A_37 : vector<512x1024xi1> to vector<512x1024xi32>
    %convert_element_type3A_39 = arith.sitofp %convert_element_type3A_38 : vector<512x1024xi32> to vector<512x1024xf32>
    %convert_element_type3A_40 = arith.fptosi %broadcast_in_dim3A_26 : vector<512x1xf32> to vector<512x1xi32>
    %convert_element_type3A_41 = arith.fptosi %select_n3A_34 : vector<512x1xf32> to vector<512x1xi32>
    %squeeze3A = vector.shape_cast %convert_element_type3A_41 : vector<512x1xi32> to vector<512xi32>
    %broadcast_in_dim3A_42 = vector.shape_cast %squeeze3A : vector<512xi32> to vector<1x1x512xi32>
    %swap3A = arith.constant 0 : index
    %swap3A_43 = arith.constant 0 : index
    %swap3A_44 = arith.constant 0 : index
    %swap3A_45 = vector.load %arg3[%swap3A, %swap3A_43, %swap3A_44] : memref<1x1x512xi32, #tpu.memory_space<vmem>>, vector<1x1x512xi32>
    tpu.vector_store %arg3[%swap3A, %swap3A_43, %swap3A_44], %broadcast_in_dim3A_42 {strides = array<i32>} : memref<1x1x512xi32, #tpu.memory_space<vmem>>, vector<1x1x512xi32>,
    %jit3A_46 = arith.constant 0 : i32
    %broadcast_in_dim3A_47 = vector.broadcast %jit3A_46 : i32 to vector<512x1xi32>
    %select_n3A_48 = arith.select %gt3A_29, %convert_element_type3A_40, %broadcast_in_dim3A_47 : vector<512x1xi1>, vector<512x1xi32>
    %squeeze3A_49 = vector.shape_cast %select_n3A_48 : vector<512x1xi32> to vector<512xi32>
    %broadcast_in_dim3A_50 = vector.shape_cast %squeeze3A_49 : vector<512xi32> to vector<1x1x512xi32>
    %swap3A_51 = arith.constant 0 : index
    %swap3A_52 = arith.constant 0 : index
    %swap3A_53 = arith.constant 0 : index
    %swap3A_54 = vector.load %arg4[%swap3A_51, %swap3A_52, %swap3A_53] : memref<1x1x512xi32, #tpu.memory_space<vmem>>, vector<1x1x512xi32>
    tpu.vector_store %arg4[%swap3A_51, %swap3A_52, %swap3A_53], %broadcast_in_dim3A_50 {strides = array<i32>} : memref<1x1x512xi32, #tpu.memory_space<vmem>>, vector<1x1x512xi32>,
    %jit3A_55 = arith.constant 0.000000e+00 : f32
    %broadcast_in_dim3A_56 = vector.broadcast %jit3A_55 : f32 to vector<512x1xf32>
    %select_n3A_57 = arith.select %gt3A_29, %add3A_27, %broadcast_in_dim3A_56 : vector<512x1xi1>, vector<512x1xf32>
    %squeeze3A_58 = vector.shape_cast %select_n3A_57 : vector<512x1xf32> to vector<512xf32>
    %broadcast_in_dim3A_59 = vector.shape_cast %squeeze3A_58 : vector<512xf32> to vector<1x1x512xf32>
    %swap3A_60 = arith.constant 0 : index
    %swap3A_61 = arith.constant 0 : index
    %swap3A_62 = arith.constant 0 : index
    %swap3A_63 = vector.load %arg5[%swap3A_60, %swap3A_61, %swap3A_62] : memref<1x1x512xf32, #tpu.memory_space<vmem>>, vector<1x1x512xf32>
    tpu.vector_store %arg5[%swap3A_60, %swap3A_61, %swap3A_62], %broadcast_in_dim3A_59 {strides = array<i32>} : memref<1x1x512xf32, #tpu.memory_space<vmem>>, vector<1x1x512xf32>,
    %get3A_64 = arith.constant 0 : index
    %get3A_65 = arith.constant 0 : index
    %get3A_66 = vector.load %arg9[%get3A_64, %get3A_65] : memref<8x1024xf32, #tpu.memory_space<vmem>>, vector<8x1024xf32>
    %reshape3A = vector.shape_cast %convert_element_type3A_39 : vector<512x1024xf32> to vector<64x8x1024xf32>
    %reduce_sum3A_67 = arith.constant dense<0.000000e+00> : vector<8x1024xf32>
    %reduce_sum3A_68 = vector.multi_reduction <add>, %reshape3A, %reduce_sum3A_67 [0] : vector<64x8x1024xf32> to vector<8x1024xf32>
    %add3A_69 = arith.addf %get3A_66, %reduce_sum3A_68 : vector<8x1024xf32>
    %swap3A_70 = arith.constant 0 : index
    %swap3A_71 = arith.constant 0 : index
    %swap3A_72 = vector.load %arg9[%swap3A_70, %swap3A_71] : memref<8x1024xf32, #tpu.memory_space<vmem>>, vector<8x1024xf32>
    tpu.vector_store %arg9[%swap3A_70, %swap3A_71], %add3A_69 {strides = array<i32>} : memref<8x1024xf32, #tpu.memory_space<vmem>>, vector<8x1024xf32>,
    %get3A_73 = arith.constant 0 : index
    %get3A_74 = memref.load %arg10[%get3A_73] : memref<2xf32, #tpu.memory_space<smem>>
    %reduce_sum3A_75 = vector.shape_cast %select_n3A_57 : vector<512x1xf32> to vector<1x512x1xf32>
    %reduce_sum3A_76 = arith.constant dense<0.000000e+00> : vector<1xf32>
    %reduce_sum3A_77 = vector.multi_reduction <add>, %reduce_sum3A_75, %reduce_sum3A_76 [1, 2] : vector<1x512x1xf32> to vector<1xf32>
    %reduce_sum3A_78 = vector.shape_cast %reduce_sum3A_77 : vector<1xf32> to vector<1x1x1xf32>
    %reduce_sum3A_79 = vector.extract %reduce_sum3A_78[0, 0, 0] : f32 from vector<1x1x1xf32>
    %add3A_80 = arith.addf %get3A_74, %reduce_sum3A_79 : f32
    %swap3A_81 = arith.constant 0 : index
    %swap3A_82 = memref.load %arg10[%swap3A_81] : memref<2xf32, #tpu.memory_space<smem>>
    memref.store %add3A_80, %arg10[%swap3A_81] : memref<2xf32, #tpu.memory_space<smem>>
    %get3A_83 = arith.constant 1 : index
    %get3A_84 = memref.load %arg10[%get3A_83] : memref<2xf32, #tpu.memory_space<smem>>
    %reduce_sum3A_85 = vector.shape_cast %convert_element_type3A_31 : vector<512x1xf32> to vector<1x512x1xf32>
    %reduce_sum3A_86 = arith.constant dense<0.000000e+00> : vector<1xf32>
    %reduce_sum3A_87 = vector.multi_reduction <add>, %reduce_sum3A_85, %reduce_sum3A_86 [1, 2] : vector<1x512x1xf32> to vector<1xf32>
    %reduce_sum3A_88 = vector.shape_cast %reduce_sum3A_87 : vector<1xf32> to vector<1x1x1xf32>
    %reduce_sum3A_89 = vector.extract %reduce_sum3A_88[0, 0, 0] : f32 from vector<1x1x1xf32>
    %add3A_90 = arith.addf %get3A_84, %reduce_sum3A_89 : f32
    %swap3A_91 = arith.constant 1 : index
    %swap3A_92 = memref.load %arg10[%swap3A_91] : memref<2xf32, #tpu.memory_space<smem>>
    memref.store %add3A_90, %arg10[%swap3A_91] : memref<2xf32, #tpu.memory_space<smem>>
    %eq3A_93 = arith.constant 31 : i32
    %eq3A_94 = arith.cmpi eq, %arg0, %eq3A_93 : i32
    %convert_element_type3A_95 = arith.extui %eq3A_94 : i1 to i32
    %cond3A_96 = arith.constant 0 : i32
    %cond3A_97 = arith.cmpi ne, %convert_element_type3A_95, %cond3A_96 : i32
    scf.if %cond3A_97 {
      %get3A_98 = arith.constant 1 : index
      %get3A_99 = memref.load %arg10[%get3A_98] : memref<2xf32, #tpu.memory_space<smem>>
      %max3A = arith.constant 1.000000e+00 : f32
      %max3A_100 = arith.maximumf %get3A_99, %max3A : f32
      %broadcast_in_dim3A_101 = arith.constant 3.906250e-03 : f32
      %broadcast_in_dim3A_102 = vector.broadcast %broadcast_in_dim3A_101 : f32 to vector<1x1xf32>
      %get3A_103 = arith.constant 0 : index
      %get3A_104 = memref.load %arg10[%get3A_103] : memref<2xf32, #tpu.memory_space<smem>>
      %div3A = arith.divf %get3A_104, %max3A_100 : f32
      %mul3A_105 = vector.broadcast %div3A : f32 to vector<1x1xf32>
      %mul3A_106 = arith.mulf %broadcast_in_dim3A_102, %mul3A_105 : vector<1x1xf32>
      %swap3A_107 = arith.constant 0 : index
      %swap3A_108 = arith.constant 0 : index
      %swap3A_109 = vector.load %arg6[%swap3A_107, %swap3A_108] : memref<1x1xf32, #tpu.memory_space<vmem>>, vector<1x1xf32>
      tpu.vector_store %arg6[%swap3A_107, %swap3A_108], %mul3A_106 {strides = array<i32>} : memref<1x1xf32, #tpu.memory_space<vmem>>, vector<1x1xf32>,
      %get3A_110 = arith.constant 0 : index
      %get3A_111 = arith.constant 0 : index
      %get3A_112 = vector.load %arg9[%get3A_110, %get3A_111] : memref<8x1024xf32, #tpu.memory_space<vmem>>, vector<8x1024xf32>
      %reduce_sum3A_113 = arith.constant dense<0.000000e+00> : vector<1024xf32>
      %reduce_sum3A_114 = vector.multi_reduction <add>, %get3A_112, %reduce_sum3A_113 [0] : vector<8x1024xf32> to vector<1024xf32>
      %broadcast_in_dim3A_115 = vector.shape_cast %reduce_sum3A_114 : vector<1024xf32> to vector<1x1024xf32>
      %div3A_116 = vector.broadcast %max3A_100 : f32 to vector<1x1024xf32>
      %div3A_117 = arith.divf %broadcast_in_dim3A_115, %div3A_116 : vector<1x1024xf32>
      %add3A_118 = arith.constant 1.000000e-10 : f32
      %add3A_119 = vector.broadcast %add3A_118 : f32 to vector<1x1024xf32>
      %add3A_120 = arith.addf %div3A_117, %add3A_119 : vector<1x1024xf32>
      %log3A = math.log %add3A_120 : vector<1x1024xf32>
      %mul3A_121 = arith.mulf %div3A_117, %log3A : vector<1x1024xf32>
      %reduce_sum3A_122 = vector.shape_cast %mul3A_121 : vector<1x1024xf32> to vector<1x1x1024xf32>
      %reduce_sum3A_123 = arith.constant dense<0.000000e+00> : vector<1xf32>
      %reduce_sum3A_124 = vector.multi_reduction <add>, %reduce_sum3A_122, %reduce_sum3A_123 [1, 2] : vector<1x1x1024xf32> to vector<1xf32>
      %reduce_sum3A_125 = vector.shape_cast %reduce_sum3A_124 : vector<1xf32> to vector<1x1x1xf32>
      %reduce_sum3A_126 = vector.extract %reduce_sum3A_125[0, 0, 0] : f32 from vector<1x1x1xf32>
      %neg3A = arith.constant 0.000000e+00 : f32
      %neg3A_127 = arith.subf %neg3A, %reduce_sum3A_126 : f32
      %broadcast_in_dim3A_128 = arith.constant 1.000000e+00 : f32
      %broadcast_in_dim3A_129 = vector.broadcast %broadcast_in_dim3A_128 : f32 to vector<1x1xf32>
      %mul3A_130 = vector.broadcast %neg3A_127 : f32 to vector<1x1xf32>
      %mul3A_131 = arith.mulf %broadcast_in_dim3A_129, %mul3A_130 : vector<1x1xf32>
      %exp3A = math.exp %mul3A_131 : vector<1x1xf32>
      %swap3A_132 = arith.constant 0 : index
      %swap3A_133 = arith.constant 0 : index
      %swap3A_134 = vector.load %arg7[%swap3A_132, %swap3A_133] : memref<1x1xf32, #tpu.memory_space<vmem>>, vector<1x1xf32>
      tpu.vector_store %arg7[%swap3A_132, %swap3A_133], %exp3A {strides = array<i32>} : memref<1x1xf32, #tpu.memory_space<vmem>>, vector<1x1xf32>,
    } else {
    }
    return
  }
  func.func @transform_0(%arg0: i32) -> (i32, i32) {
    %c0_i32 = arith.constant 0 : i32
    %c0_i32_0 = arith.constant 0 : i32
    return %arg0, %c0_i32 : i32, i32
  }
  func.func @transform_1(%arg0: i32) -> (i32, i32) {
    %c0_i32 = arith.constant 0 : i32
    %c0_i32_0 = arith.constant 0 : i32
    %c0_i32_1 = arith.constant 0 : i32
    return %c0_i32, %c0_i32_0 : i32, i32
  }
  func.func @transform_2(%arg0: i32) -> (i32, i32, i32) {
    %c0_i32 = arith.constant 0 : i32
    %c0_i32_0 = arith.constant 0 : i32
    %c0_i32_1 = arith.constant 0 : i32
    return %arg0, %c0_i32, %c0_i32_0 : i32, i32, i32
  }
  func.func @transform_3(%arg0: i32) -> (i32, i32, i32) {
    %c0_i32 = arith.constant 0 : i32
    %c0_i32_0 = arith.constant 0 : i32
    %c0_i32_1 = arith.constant 0 : i32
    return %arg0, %c0_i32, %c0_i32_0 : i32, i32, i32
  }
  func.func @transform_4(%arg0: i32) -> (i32, i32, i32) {
    %c0_i32 = arith.constant 0 : i32
    %c0_i32_0 = arith.constant 0 : i32
    %c0_i32_1 = arith.constant 0 : i32
    return %arg0, %c0_i32, %c0_i32_0 : i32, i32, i32
  }
  func.func @transform_5(%arg0: i32) -> (i32, i32) {
    %c0_i32 = arith.constant 0 : i32
    %c0_i32_0 = arith.constant 0 : i32
    %c0_i32_1 = arith.constant 0 : i32
    return %c0_i32, %c0_i32_0 : i32, i32
  }
  func.func @transform_6(%arg0: i32) -> (i32, i32) {
    %c0_i32 = arith.constant 0 : i32
    %c0_i32_0 = arith.constant 0 : i32
    %c0_i32_1 = arith.constant 0 : i32
    return %c0_i32, %c0_i32_0 : i32, i32
  }
}

</mosaic_0001>

<sc_bundles>
// kernel: kernel.4.cloned.1.call-start
scs
__scs_entry_jumppad:
0x0: {  	(pc) =	sbr.rel $0x88, $3  }
0x1: {  	(tag) =	ssettag $0x0;
	lr =	simm.s32 $0x1  }
0x2: {  	[smem:$0x3F9F] =	sst lr;
	_ =	strace $0xD0000000  }
0x3: {  	_ = 	snop  }
0x4: {  	_ = 	snop  }
0x5: {  	_ = 	snop  }
0x6: {  	_ = 	snop  }
0x7: {  	_ = 	snop  }
__scs_overlays_trampoline_lowered:
0x8: {  	[smem:$0x3FAE] =	sst s0  }
0x9: {  	[smem:$0x3FAF] =	sst s1  }
0xa: {  	[smem:$0x3FB0] =	sst s2  }
0xb: {  	[smem:$0x3FB1] =	sst s3  }
0xc: {  	[smem:$0x3FB2] =	sst s4  }
0xd: {  	[smem:$0x3FB3] =	sst s5  }
0xe: {  	[smem:$0x3FB4] =	sst s6  }
0xf: {  	[smem:$0x3FB5] =	sst s7  }
0x10: {  	[smem:$0x3FB6] =	sst s8  }
0x11: {  	[smem:$0x3FB7] =	sst s9;
	s0 =	simm.s32 @!p0 $0x0  }
0x12: {  	s1 =	sld [smem:$0x3F9D];
	s0 =	simm.s32 @p0 $0x1  }
0x13: {  	[smem:$0x3FB8] =	sst s0;
	s0 =	simm.s32 @!p1 $0x0  }
0x14: {  	s2 =	sld [smem:$0x3F9C];
	s0 =	simm.s32 @p1 $0x1  }
0x15: {  	[smem:$0x3FB9] =	sst s0;
	s0 =	simm.s32 @!p2 $0x0  }
0x16: {  	s3 =	sld [smem:$0x3FDB];
	s0 =	simm.s32 @p2 $0x1  }
0x17: {  	s4 =	simm.s32 $0x1BF5;
	[smem:$0x3FBB] =	sst s0  }
0x18: {  	s0 =	sld [smem:$0x3F9E];
	_ =	swait.ge [sflag:s4], $0x0  }
0x19: {  	s7 =	sld [smem:$0x3F9F]  }
0x1a: {  	s8 =	sadd.s32 $0xFFFFE003, lr  }
0x1b: {  	s9 =	sadd.s32 $0xFFFFFEF7, lr;
	s5 =	simm.s32 $0xFFFFFFFF;
	p2 =	slt.u32 s8, $0xFFFFF086  }
0x1c: {  	p1 =	slt.u32 s9, $0xF7A;
	s5 =	simm.s32 @!p2 $0x0  }
0x1d: {  	s5 =	simm.s32 @p1 $0x1;
	p0 =	seq.s32 s7, s2  }
0x1e: {  	s7 =	smul.u32 @!p0 $0xF7A, s2;
	p2 =	seq.s32 @!p0 s5, $0x0  }
0x1f: {  	s9 =	smul.u32 $0xF7A, s1;
	s8 =	simm.s32 @!p0 $0x1BF5;
	p2 =	por !p2, p0  }
0x20: {  	[sflag:s8] =	ssyncset.s32 @!p0 $0xFFFFF086;
	s6 =	sadd.s32 @!p0 s3, s7;
	s7 =	simm.s32 @!p0 $0x108  }
0x21: {  	s3 =	sadd.s32 s3, s9;
	s6 =	sadd.s32 @!p0 $0x88, s6;
	s7 =	simm.s32 @p2 $0x1082  }
0x22: {  	[simem:s7], [sflag:s8] =	dma.local @!p0 [hbm:s6], $0xF7A  }
0x23: {  	s9 =	sor.u32 $0xD0000000, s2;
	s6 =	simm.s32 $0x108;
	_ =	swait.ge @!p0 [sflag:s8], $0x0  }
0x24: {  	s3 =	sadd.s32 $0x88, s3;
	s6 =	simm.s32 @!p1 $0x1082;
	[sflag:s4] =	ssyncset.s32 $0xFFFFF086  }
0x25: {  	[simem:s6], [sflag:s4] =	dma.local [hbm:s3], $0xF7A  }
0x26: {  	[smem:$0x3F9F] =	sst s1;
	(tag) =	ssettag s2;
	_ =	strace s9  }
0x27: {  	s1 =	sld [smem:$0x3FAF]  }
0x28: {  	s2 =	sld [smem:$0x3FB0]  }
0x29: {  	s4 =	sld [smem:$0x3FB2]  }
0x2a: {  	p0 =	seq.s32 s5, $0x0;
	s5 =	sld [smem:$0x3FB3]  }
0x2b: {  	s6 =	sld [smem:$0x3FB4]  }
0x2c: {  	s7 =	sld [smem:$0x3FB5]  }
0x2d: {  	s3 =	simm.s32 $0x108;
	s8 =	sld [smem:$0x3FB6]  }
0x2e: {  	s3 =	simm.s32 @!p0 $0x1082;
	s9 =	sld [smem:$0x3FB7]  }
0x2f: {  	lr =	sadd.s32 s0, s3;
	s0 =	sld [smem:$0x3FAE]  }
0x30: {  	s3 =	sld [smem:$0x3FB1]  }
0x31: {  	[smem:$0x3FBA] =	sst s10  }
0x32: {  	s10 =	sld [smem:$0x3FB8];
	_ =	sdelay $0x3  }
0x33: {  	p0 =	seq.s32 s10, $0x1;
	s10 =	sld [smem:$0x3FBA];
	_ =	sdelay $0x3  }
0x34: {  	[smem:$0x3FBA] =	sst s10  }
0x35: {  	s10 =	sld [smem:$0x3FB9];
	_ =	sdelay $0x3  }
0x36: {  	p1 =	seq.s32 s10, $0x1;
	s10 =	sld [smem:$0x3FBA];
	_ =	sdelay $0x3  }
0x37: {  	[smem:$0x3FBA] =	sst s10  }
0x38: {  	s10 =	sld [smem:$0x3FBB]  }
0x39: {  	_ = 	snop;
	(pc) =	sbr.ind lr, $3  }
0x3a: {  	_ = 	snop  }
0x3b: {  	_ = 	snop  }
0x3c: {  	p2 =	seq.s32 s10, $0x1;
	s10 =	sld [smem:$0x3FBA]  }
0x3d: {  	_ =	shalt  }
0x3e: {  	_ =	shalt  }
0x3f: {  	_ =	shalt  }
0x40: {  	_ =	shalt  }
0x41: {  	_ =	shalt  }
0x42: {  	_ =	shalt  }
0x43: {  	_ =	shalt  }
0x44: {  	_ =	shalt  }
0x45: {  	_ =	shalt  }
0x46: {  	_ =	shalt  }
0x47: {  	_ =	shalt  }
0x48: {  	_ =	shalt  }
0x49: {  	_ =	shalt  }
0x4a: {  	_ =	shalt  }
0x4b: {  	_ =	shalt  }
0x4c: {  	_ =	shalt  }
0x4d: {  	_ =	shalt  }
0x4e: {  	_ =	shalt  }
0x4f: {  	_ =	shalt  }
0x50: {  	_ =	shalt  }
0x51: {  	_ =	shalt  }
0x52: {  	_ =	shalt  }
0x53: {  	_ =	shalt  }
0x54: {  	_ =	shalt  }
0x55: {  	_ =	shalt  }
0x56: {  	_ =	shalt  }
0x57: {  	_ =	shalt  }
0x58: {  	_ =	shalt  }
0x59: {  	_ =	shalt  }
0x5a: {  	_ =	shalt  }
0x5b: {  	_ =	shalt  }
0x5c: {  	_ =	shalt  }
0x5d: {  	_ =	shalt  }
0x5e: {  	_ =	shalt  }
0x5f: {  	_ =	shalt  }
0x60: {  	_ =	shalt  }
0x61: {  	_ =	shalt  }
0x62: {  	_ =	shalt  }
0x63: {  	_ =	shalt  }
0x64: {  	_ =	shalt  }
0x65: {  	_ =	shalt  }
0x66: {  	_ =	shalt  }
0x67: {  	_ =	shalt  }
0x68: {  	_ =	shalt  }
0x69: {  	_ =	shalt  }
0x6a: {  	_ =	shalt  }
0x6b: {  	_ =	shalt  }
0x6c: {  	_ =	shalt  }
0x6d: {  	_ =	shalt  }
0x6e: {  	_ =	shalt  }
0x6f: {  	_ =	shalt  }
0x70: {  	_ =	shalt  }
0x71: {  	_ =	shalt  }
0x72: {  	_ =	shalt  }
0x73: {  	_ =	shalt  }
0x74: {  	_ =	shalt  }
0x75: {  	_ =	shalt  }
0x76: {  	_ =	shalt  }
0x77: {  	_ =	shalt  }
0x78: {  	_ =	shalt  }
0x79: {  	_ =	shalt  }
0x7a: {  	_ =	shalt  }
0x7b: {  	_ =	shalt  }
0x7c: {  	_ =	shalt  }
0x7d: {  	_ =	shalt  }
0x7e: {  	_ =	shalt  }
0x7f: {  	_ =	shalt  }
0x80: {  	_ =	shalt  }
0x81: {  	_ =	shalt  }
0x82: {  	_ =	shalt  }
0x83: {  	_ =	shalt  }
0x84: {  	_ =	shalt  }
0x85: {  	_ =	shalt  }
0x86: {  	_ =	shalt  }
0x87: {  	_ =	shalt  }
.Lfunc_end0:
.L_simem_size_0:
called_computation_lowered:
.L_overlay_start_0:
0x88: {  	s2 =	sld [smem:$0x3FD9]  }
0x89: {  	s3 =	sld [smem:$0x3FFE];
	_ =	sdelay $0x1  }
0x8a: {  	s1 =	srdreg.scid  }
0x8b: {  	s0 =	sand.u32 $0x1, s1  }
0x8c: {  	s14 =	sshll.u32 s0, $0xA;
	s2 =	sadd.s32 s3, s2  }
0x8d: {  	s2 =	sadd.s32 s2, s14  }
0x8e: {  	[smem:$0x3FC6] =	sst s2  }
0x8f: {  	_ = 	snop  }
0x90: {  	s2 =	sld [smem:$0x3FD0];
	_ =	sdelay $0x2  }
0x91: {  	s15 =	simm.s32 $0xA;
	s4 =	simm.s32 $0x10  }
0x92: {  	[smem:s4], [sflag:s15] =	dma.local [hbm:s2], $0x1  }
0x93: {  	_ =	swait.eq [sflag:s15], $0x1  }
0x94: {  	[sflag:s15] =	ssyncset.done $0x0  }
0x95: {  	[sflag:s15] =	ssyncadd.s32 $0xFFFFFFFF  }
0x96: {  	s16 =	sld [smem:$0x10];
	(tm) =	ssettm $0x1  }
0x97: {  	s17 =	sld [smem:$0x3FFB];
	_ =	sdelay $0x3  }
0x98: {  	_ =	strace s17  }
0x99: {  	s3 =	sld [smem:$0x3FFC];
	_ =	sdelay $0x3  }
0x9a: {  	_ =	strace s3  }
0x9b: {  	s3 =	sld [smem:$0x3FFD];
	_ =	sdelay $0x3  }
0x9c: {  	_ =	strace s3  }
0x9d: {  	_ =	strace $0x8FFFFFFF  }
0x9e: {  	s18 =	sld [smem:$0x3FDB];
	_ =	sdelay $0x1  }
0x9f: {  	s19 =	simm.s32 $_scs_section_size  }
0xa0: {  	s5 =	simm.s32 $_size__tile_overlayer_lowered;
	s6 =	simm.s32 $_tile_overlayer_lowered  }
0xa1: {  	s22 =	simm.s32 $0x1BFF;
	s21 =	sshll.u32 s6, $0x1;
	s3 =	sadd.s32 s19, s18  }
0xa2: {  	s7 =	simm.s32 $0x0;
	s20 =	sshll.u32 s5, $0x1;
	s5 =	sadd.s32 s21, s3  }
0xa3: {  	[timem:s7], [sflag:s22] =	dma.local [hbm:s5], s20  }
0xa4: {  	_ =	swait.ge [sflag:s22], s20  }
0xa5: {  	s4 =	ssub.s32 $0x0, s20;
	[sflag:s22] =	ssyncset.done $0x0  }
0xa6: {  	[sflag:s22] =	ssyncadd.s32 s4;
	_ =	sdelay $0x1  }
0xa7: {  	s23 =	simm.s32 $0x1B8B  }
0xa8: {  	_ =	swait.ge [sflag:s23], $0x1  }
0xa9: {  	[sflag:s23] =	ssyncset.done $0x0  }
0xaa: {  	s25 =	simm.s32 $0x1B8E;
	s24 =	sld [smem:$0x3FFE];
	[sflag:s23] =	ssyncadd.s32 $0xFFFFFFFF  }
0xab: {  	s26 =	simm.s32 $execute0_lowered;
	[smem:$0x3FD2] =	sst s25  }
0xac: {  	s5 =	sshll.u32 s26, $0x1;
	_ =	strace $0x80000046;
	[dreg:$0x1] =	wrdreg $0xFFFFFFFF  }
0xad: {  	s28 =	simm.s32 $_size_execute0_lowered;
	s3 =	sadd.s32 s3, s5;
	[dreg:$0x0] =	wrdreg $0x0  }
0xae: {  	s5 =	sshll.u32 s28, $0x1;
	[dreg:$0x2] =	wrdreg s3  }
0xaf: {  	[dreg:$0x3] =	wrdreg s5  }
0xb0: {  	[dreg:$0x4] =	wrdreg $0xC0  }
0xb1: {  	_ =	task [dreg:s7], $0x5FFFF  }
0xb2: {  	[dreg:$0x1] =	wrdreg $0xFFFFFFFF  }
0xb3: {  	[dreg:$0x0] =	wrdreg $0x60  }
0xb4: {  	[dreg:$0x2] =	wrdreg s24  }
0xb5: {  	[dreg:$0x3] =	wrdreg s16  }
0xb6: {  	[dreg:$0x4] =	wrdreg $0x9  }
0xb7: {  	_ =	task.clear_ibuf [dreg:s7], $0x5FFFF;
	_ =	strace $0x90000046  }
0xb8: {  	s29 =	simm.s32 $0x9;
	_ =	strace $0x80000048  }
0xb9: {  	_ =	swait.ge [sflag:s29], $0x1  }
0xba: {  	[sflag:s29] =	ssyncadd.s32 $0xFFFFFFFF  }
0xbb: {  	_ =	strace $0x90000048  }
0xbc: {  	_ =	sfence  }
0xbd: {  	s30 =	sld [smem:$0x0];
	_ =	sdelay $0x2  }
0xbe: {  	s31 =	sshll.u32 s1, $0xD;
	s1 =	sshrl.u32 s1, $0x2  }
0xbf: {  	s3 =	sand.u32 $0x4000, s31;
	s1 =	sadd.s32 s1, s30  }
0xc0: {  	s0 =	sor.u32 s3, s0;
	s1 =	sshll.u32 s1, $0x11  }
0xc1: {  	s0 =	sor.u32 s1, s0  }
0xc2: {  	s0 =	sadd.s32 $0x8F2B, s0  }
0xc3: {  	[sflag:s0] =	ssyncadd.remote.s32 $0x1  }
0xc4: {  	_ =	sfence.sel $0xFFFF  }
0xc5: {  	[dreg:$0x0] =	wrdreg $0xFFFFFFFF;
	(pc) =	sbr.abs _section_cstart, $3  }
0xc6: {  	[dreg:$0x1] =	wrdreg $0xFFFFFFFF  }
0xc7: {  	_ =	task.clear_ibuf [dreg:s7], $0x2FFFF;
	_ =	strace $0x9FFFFFFF  }
0xc8: {  	(tm) =	ssettm $0x7FFFFFFF  }
0xc9: {  	_ =	shalt  }
tec
execute0_lowered:
.L_overlay_start_1:
0x0: {  	(tag) =	ssettag $0x1  }
0x1: {  	s1 =	srdreg.scid;
	s0 =	stileid.u32  }
0x2: {  	s2 =	rddreg [dreg:$0x0];
	s12 =	sand.u32 $0x1, s1;
	s30 =	sshll.u32 s0, $0x1  }
0x3: {  	s14 =	rddreg [dreg:$0x1];
	s15 =	sor.u32 s12, s30  }
0x4: {  	s3 =	simm.s32 $0x0;
	s1 =	rddreg [dreg:$0x2];
	s4 =	sshll.u32 s15, $0x6  }
0x5: {  	[smem:$0x7FF] =	sst s3;
	s4 =	sadd.s32 s4, s2  }
0x6: {  	_ =	strace $0x80000047;
	s5 =	sadd.s32 $0x2200, s4;
	s4 =	simm.s32 $0x2  }
0x7: {  	[tilespmem:s3], [sflag:$0x2] =	stream.linear.gather [hbm4b:s5+s3], $0x200, $0x38;
	[tilespmem:$0x8200] =	vst v63  }
0x8: {  	_ =	swait.ge [sflag:s4], $0x200  }
0x9: {  	s6 =	simm.s32 $0x80;
	[sflag:s4] =	ssyncset.done $0x0  }
0xa: {  	s7 =	simm.s32 $0x200;
	s8 =	simm.s32 $0x1;
	[sflag:s4] =	ssyncadd.s32 $0xFFFFFE00  }
0xb: {  	[tilespmem:s7], [sflag:$0x1] =	stream.indirect.gather [hbm4b:s2+s6], $0x40, s3, s6, $0xb8;
	[tilespmem:$0x8200] =	vst v63  }
0xc: {  	_ =	swait.ge [sflag:s8], $0x2000  }
0xd: {  	[sflag:s8] =	ssyncset.done $0x0  }
0xe: {  	s9 =	simm.s32 $0x2200;
	[sflag:s8] =	ssyncadd.s32 $0xFFFFE000  }
0xf: {  	[tilespmem:s9], [sflag:$0x1] =	stream.indirect.gather [hbm4b:s2+s6], $0x40, s6, s6, $0xb8;
	[tilespmem:$0x8200] =	vst v63  }
0x10: {  	_ =	swait.ge [sflag:s8], $0x2000  }
0x11: {  	s10 =	simm.s32 $0x100;
	[sflag:s8] =	ssyncset.done $0x0  }
0x12: {  	s11 =	simm.s32 $0x4200;
	s16 =	ssub.s32 $0x2, s12;
	[sflag:s8] =	ssyncadd.s32 $0xFFFFE000  }
0x13: {  	[tilespmem:s11], [sflag:$0x1] =	stream.indirect.gather [hbm4b:s2+s6], $0x40, s10, s6, $0xb8;
	[tilespmem:$0x8200] =	vst v63  }
0x14: {  	s17 =	sshrl.u32 s16, $0x1;
	_ =	swait.ge [sflag:s8], $0x2000  }
0x15: {  	s13 =	simm.s32 $0x6200;
	s16 =	ssub.s32 s16, s17;
	[sflag:s8] =	ssyncset.done $0x0  }
0x16: {  	s12 =	simm.s32 $0x180;
	s31 =	smax.u32 s16, $0x1;
	[sflag:s8] =	ssyncadd.s32 $0xFFFFE000  }
0x17: {  	[tilespmem:s13], [sflag:$0x1] =	stream.indirect.gather [hbm4b:s2+s6], $0x40, s12, s6, $0xb8;
	[tilespmem:$0x8200] =	vst v63  }
0x18: {  	p0 =	sne.s32 s31, $0x1;
	_ =	swait.ge [sflag:s8], $0x2000  }
.Ltmp0:
0x19: {  	s15 =	sshll.u32 s15, $0xC;
	[sflag:s8] =	ssyncset.done $0x0;
	(pc) =	sbr.rel @!p0 .LBB2_2-.Ltmp0, $4  }
0x1a: {  	s14 =	sadd.s32 s14, s15;
	[sflag:s8] =	ssyncadd.s32 $0xFFFFE000  }
0x1b: {  	[hbm4b:s14+s3] =	stream.linear.scatter [tilespmem:s7], [sflag:$0x2], $0x8000, $0x38;
	[tilespmem:$0x8200] =	vst v63  }
0x1c: {  	_ =	swait.ge [sflag:s4], $0x8000  }
0x1d: {  	s15 =	sadd.s32 $0xFFFFFFFF, s31;
	[sflag:s4] =	ssyncset.done $0x0  }
.LBB2_1:
0x1e: {  	p0 =	sne.s32 s15, $0x1;
	s15 =	sadd.s32 $0xFFFFFFFF, s15;
	[sflag:s4] =	ssyncadd.s32 $0xFFFF8000  }
0x1f: {  	[tilespmem:s3], [sflag:$0x2] =	stream.linear.gather [hbm4b:s5+s3], $0x200, $0x38;
	[tilespmem:$0x8200] =	vst v63  }
0x20: {  	_ =	swait.ge [sflag:s4], $0x200  }
0x21: {  	[sflag:s4] =	ssyncset.done $0x0  }
0x22: {  	[sflag:s4] =	ssyncadd.s32 $0xFFFFFE00  }
0x23: {  	[tilespmem:s7], [sflag:$0x1] =	stream.indirect.gather [hbm4b:s2+s6], $0x40, s3, s6, $0xb8;
	[tilespmem:$0x8200] =	vst v63  }
0x24: {  	_ =	swait.ge [sflag:s8], $0x2000  }
0x25: {  	[sflag:s8] =	ssyncset.done $0x0  }
0x26: {  	[sflag:s8] =	ssyncadd.s32 $0xFFFFE000  }
0x27: {  	[tilespmem:s9], [sflag:$0x1] =	stream.indirect.gather [hbm4b:s2+s6], $0x40, s6, s6, $0xb8;
	[tilespmem:$0x8200] =	vst v63  }
0x28: {  	_ =	swait.ge [sflag:s8], $0x2000  }
0x29: {  	[sflag:s8] =	ssyncset.done $0x0  }
0x2a: {  	[sflag:s8] =	ssyncadd.s32 $0xFFFFE000  }
0x2b: {  	[tilespmem:s11], [sflag:$0x1] =	stream.indirect.gather [hbm4b:s2+s6], $0x40, s10, s6, $0xb8;
	[tilespmem:$0x8200] =	vst v63  }
0x2c: {  	_ =	swait.ge [sflag:s8], $0x2000  }
0x2d: {  	[sflag:s8] =	ssyncset.done $0x0  }
0x2e: {  	[sflag:s8] =	ssyncadd.s32 $0xFFFFE000  }
0x2f: {  	[tilespmem:s13], [sflag:$0x1] =	stream.indirect.gather [hbm4b:s2+s6], $0x40, s12, s6, $0xb8;
	[tilespmem:$0x8200] =	vst v63  }
0x30: {  	_ =	swait.ge [sflag:s8], $0x2000  }
.Ltmp1:
0x31: {  	[sflag:s8] =	ssyncset.done $0x0;
	(pc) =	sbr.rel @p0 .LBB2_1-.Ltmp1, $4  }
0x32: {  	[sflag:s8] =	ssyncadd.s32 $0xFFFFE000  }
0x33: {  	[hbm4b:s14+s3] =	stream.linear.scatter [tilespmem:s7], [sflag:$0x2], $0x8000, $0x38;
	[tilespmem:$0x8200] =	vst v63  }
0x34: {  	_ =	swait.ge [sflag:s4], $0x8000  }
0x35: {  	[sflag:s4] =	ssyncset.done $0x0  }
.LBB2_2:
0x36: {  	[sflag:s4] =	ssyncadd.s32 $0xFFFF8000  }
0x37: {  	_ =	sfence.sel $0x180000  }
0x38: {  	[bflag:$0x0] =	sbarrier.arrive $0xFFFF  }
0x39: {  	p0 =	sne.s32 s0, $0x0;
	_ =	strace $0x90000047  }
0x3a: {  	s0 =	sadd.s32 @!p0 $0x100000, s1;
	[bflag:$0x2] =	sbarrier.arrive $0xFFFF  }
0x3b: {  	[sflag:s0] =	ssyncadd.tile.s32 @!p0 $0x1;
	_ =	shalt  }
.Lfunc_end2:
_tile_overlayer_lowered:
.L_overlay_start_2:
0x3c: {  	(tag) =	ssettag $0x2  }
0x3d: {  	s0 =	rddreg [dreg:$0x0];
	s2 =	stileid.u32  }
0x3e: {  	s1 =	rddreg [dreg:$0x1];
	p0 =	sne.s32 s2, $0x0  }
0x3f: {  	s3 =	rddreg [dreg:$0x2];
	[bflag:$0x3] =	sbarrier.arrive $0xFFFF;
	s2 =	simm.s32 @!p0 $0x1C02  }
0x40: {  	[timem:s3], [sflag:s2] =	dma.local @!p0 [hbm:s0], s1  }
0x41: {  	s0 =	simm.s32 @!p0 $0x2  }
0x42: {  	_ =	swait.ge @!p0 [sflag:s0], s1  }
0x43: {  	s1 =	ssub.s32 @!p0 $0x0, s1;
	[sflag:s0] =	ssyncset.done @!p0 $0x0  }
0x44: {  	[sflag:s0] =	ssyncadd.s32 @!p0 s1  }
0x45: {  	[bflag:$0x3] =	sbarrier.arrive $0xFFFF  }
0x46: {  	_ =	shalt  }

</sc_bundles>
